<compile_context>
chip_gen: v7x
topology: tpu7x:2x2x1
jax: 0.10.2.dev20260603
libtpu: 0.0.44.dev20260713+nightly
codegen_flags: <defaults>
</compile_context>

<pallas_src>
import jax
import jax.numpy as jnp
from jax import lax
from jax.experimental import pallas as pl
from jax.experimental.pallas import tpu as pltpu
from jax.experimental.pallas import tpu_sc as plsc

_B = 65536
_L = 16
_NC = 1
_NS = 16
_NW = _NC * _NS
_CHUNK = _B // _NW
_H = _CHUNK // 2


def _compute_half(op_v, a_v, b_v, c_v, o_v, lo):
    @plsc.parallel_loop(lo, lo + _H, _L, unroll=1)
    def step(j):
        off = pl.multiple_of(j, _L)
        op = op_v[pl.ds(off, _L)]
        a = a_v[pl.ds(off, _L)]
        b = b_v[pl.ds(off, _L)]
        c = c_v[pl.ds(off, _L)]
        t = jnp.where(op == 0, b + c,
                      jnp.where(op == 4, a,
                                jnp.where(op == 6, 1, -1)))
        r_arith = (a + t) & 255
        r_bit = jnp.where(op == 1, a & b,
                          jnp.where(op == 2, a | b, a ^ b))
        is_bit = (op >= 1) & (op <= 3)
        res = jnp.where(is_bit, r_bit,
                        jnp.where(op == 5, a >> 1, r_arith))
        o_v[pl.ds(off, _L)] = res


def _body(op_hbm, a_hbm, b_hbm, c_hbm, out_hbm,
          op_v, a_v, b_v, c_v, o_v, sem0, sem1, sem_out):
    wid = lax.axis_index("s") * _NC + lax.axis_index("c")
    base = wid * _CHUNK
    sems = (sem0, sem1)
    in_cps = []
    for h in range(2):
        hbm_sl = pl.ds(base + h * _H, _H)
        vm_sl = pl.ds(h * _H, _H)
        in_cps.append([
            pltpu.async_copy(src.at[hbm_sl], dst.at[vm_sl], sems[h])
            for src, dst in ((op_hbm, op_v), (a_hbm, a_v),
                             (b_hbm, b_v), (c_hbm, c_v))])
    out_cps = []
    for h in range(2):
        for cp in in_cps[h]:
            cp.wait()
        _compute_half(op_v, a_v, b_v, c_v, o_v, h * _H)
        out_cps.append(pltpu.async_copy(
            o_v.at[pl.ds(h * _H, _H)],
            out_hbm.at[pl.ds(base + h * _H, _H)], sem_out))
    for cp in out_cps:
        cp.wait()


def kernel(opcode, a, b, carry, emb_table, signatures, atom_positions,
           composition_table):
    del emb_table, signatures, atom_positions, composition_table
    mesh = plsc.VectorSubcoreMesh(core_axis_name="c", subcore_axis_name="s",
                                  num_cores=1)
    f = pl.kernel(
        _body,
        mesh=mesh,
        out_type=jax.ShapeDtypeStruct((_B,), jnp.int32),
        scratch_types=[pltpu.VMEM((_CHUNK,), jnp.int32) for _ in range(5)]
        + [pltpu.SemaphoreType.DMA for _ in range(3)],
    )
    return f(opcode, a, b, carry)

# --- scband reference (transcript-rebuilt; emitter-appended) ---
"""Pipeline reference for scband-tri-x6502-full-stack-1468878815292 (READ-ONLY COPY).

The authoritative reference and input builder live on the scoring server;
editing this copy changes nothing except your own understanding.
"""

import jax, jax.numpy as jnp
import numpy as np

B = 65536
NUM_ATOMS = 8
SIG_DIM = 32


def setup_inputs(seed: int = 0) -> dict:
    key = jax.random.key(seed)
    k1, k2, k3, k4, k5 = jax.random.split(key, 5)
    opcode = jax.random.randint(k1, (B,), 0, 8)
    a = jax.random.randint(k2, (B,), 0, 256)
    b = jax.random.randint(k3, (B,), 0, 256)
    carry = jax.random.randint(k4, (B,), 0, 2)
    # learned params
    emb_table = jax.random.normal(k5, (NUM_ATOMS, SIG_DIM), dtype=jnp.float32)  # nn.Embedding(8, 32)
    sigs = np.zeros((NUM_ATOMS, SIG_DIM), dtype=np.float32)
    blk = SIG_DIM // NUM_ATOMS
    for i in range(NUM_ATOMS):
        sigs[i, i * blk:(i + 1) * blk] = 1.0
    signatures = jnp.asarray(sigs)
    atom_positions = jnp.linspace(0.0, 8.0, NUM_ATOMS).astype(jnp.float32)
    comp = np.full((2, NUM_ATOMS), -1.0, dtype=np.float32)
    comp[1, 0] = 1.0
    composition_table = jnp.asarray(comp)
    return {"opcode": opcode, "a": a, "b": b, "carry": carry,
            "emb_table": emb_table, "signatures": signatures,
            "atom_positions": atom_positions, "composition_table": composition_table}


def _ternary_bits(t):
    return jnp.stack([(t > 0).astype(jnp.int32), (t < 0).astype(jnp.int32)], axis=-1)


def _cubic_bspline(t):
    t = jnp.abs(t)
    r1 = 2.0 / 3.0 - t ** 2 + 0.5 * t ** 3
    r2 = (1.0 / 6.0) * (2.0 - t) ** 3
    return jnp.where(t < 1.0, r1, jnp.where(t < 2.0, r2, jnp.zeros_like(t)))


def reference(opcode, a, b, carry, emb_table, signatures, atom_positions, composition_table):
    # content routing: embedding gather
    content = jnp.take(emb_table, opcode, axis=0)  # [B, 32]
    sigs_sign = jnp.sign(signatures)
    content_sign = jnp.sign(content)
    # XOR Hamming distance over 2-bit ternary encoding
    cb = _ternary_bits(content_sign)[:, None, :, :]   # [B, 1, 32, 2]
    sb = _ternary_bits(sigs_sign)[None, :, :, :]      # [1, 8, 32, 2]
    distances = (cb ^ sb).sum(axis=(-1, -2)).astype(jnp.float32)  # [B, 8]
    content_scores = -distances
    # spatial routing
    pos = opcode.astype(jnp.float32)
    pos_diff = pos[:, None] - atom_positions[None, :]
    spatial_scores = _cubic_bspline(pos_diff / 2.0)
    combined = content_scores + spatial_scores * 10.0
    primary = jnp.argmax(combined, axis=-1)
    secondary = composition_table[carry, primary].astype(jnp.int32)  # computed per route(), unused downstream
    # exact atoms dispatched by opcode_to_atom (matches torch primary_direct path)
    opcode_to_atom = jnp.array([0, 2, 3, 4, 5, 6, 1, 7], dtype=jnp.int32)
    atom_idx = jnp.take(opcode_to_atom, opcode)
    cand = jnp.stack([
        (a + b) % 256,          # ADD
        (a + 1) % 256,          # INC
        a & b,                  # AND
        a | b,                  # ORA
        a ^ b,                  # EOR
        (a << 1) & 255,         # ASL
        a >> 1,                 # LSR
        (a - 1) % 256,          # DEC
    ], axis=-1)
    result = jnp.take_along_axis(cand, atom_idx[:, None], axis=-1)[:, 0]
    needs_secondary = (opcode == 0) & (carry == 1)
    result = jnp.where(needs_secondary, (result + 1) % 256, result)
    _ = secondary
    return result

if __name__ == "__main__":
    import jax
    _d = setup_inputs()
    print(jax.jit(kernel)(*tuple(_d.values())))

</pallas_src>

<mosaic_0001>
#map = affine_map<(d0, d1) -> (0)>
module attributes {stable_mosaic.version = 14 : i64} {
  func.func @_body(%arg0: i32, %arg1: i32, %arg2: memref<65536xi32, #tpu.memory_space<hbm>>, %arg3: memref<65536xi32, #tpu.memory_space<hbm>>, %arg4: memref<65536xi32, #tpu.memory_space<hbm>>, %arg5: memref<65536xi32, #tpu.memory_space<hbm>>, %arg6: memref<65536xi32, #tpu.memory_space<hbm>>, %arg7: memref<4096xi32, #tpu.memory_space<vmem>>, %arg8: memref<4096xi32, #tpu.memory_space<vmem>>, %arg9: memref<4096xi32, #tpu.memory_space<vmem>>, %arg10: memref<4096xi32, #tpu.memory_space<vmem>>, %arg11: memref<4096xi32, #tpu.memory_space<vmem>>, %arg12: memref<!tpu.dma_semaphore, #tpu.memory_space<semaphore_mem>>, %arg13: memref<!tpu.dma_semaphore, #tpu.memory_space<semaphore_mem>>, %arg14: memref<!tpu.dma_semaphore, #tpu.memory_space<semaphore_mem>>) attributes {dimension_semantics = [#tpu.dimension_semantics<core_parallel>, #tpu.dimension_semantics<subcore_parallel>], iteration_bounds = array<i64: 1, 16>, scalar_prefetch = 0 : i64, scratch_operands = 8 : i64, tpu.core_type = #tpu.core_type<sc_vector_subcore>, window_params = [{transform_indices = #map}, {transform_indices = #map}, {transform_indices = #map}, {transform_indices = #map}, {transform_indices = #map}]} {
    %mul3A = arith.constant 1 : i32
    %mul3A_0 = arith.muli %arg1, %mul3A : i32
    %add3A = arith.addi %mul3A_0, %arg0 : i32
    %mul3A_1 = arith.constant 4096 : i32
    %mul3A_2 = arith.muli %add3A, %mul3A_1 : i32
    %add3A_3 = arith.constant 0 : i32
    %add3A_4 = arith.addi %mul3A_2, %add3A_3 : i32
    %dma_start3A = arith.constant 0 : i32
    %dma_start3A_5 = tpu.memref_slice %arg7[%dma_start3A] : memref<4096xi32, #tpu.memory_space<vmem>> -> memref<2048xi32, #tpu.memory_space<vmem>>
    %dma_start3A_6 = tpu.memref_slice %arg2[%add3A_4] : memref<65536xi32, #tpu.memory_space<hbm>> -> memref<2048xi32, #tpu.memory_space<hbm>>
    %dma_start3A_7 = arith.constant 0 : i32
    %dma_start3A_8 = tpu.memref_slice %arg7[%dma_start3A_7] : memref<4096xi32, #tpu.memory_space<vmem>> -> memref<2048xi32, #tpu.memory_space<vmem>>
    %dma_start3A_9 = tpu.memref_slice %arg2[%add3A_4] : memref<65536xi32, #tpu.memory_space<hbm>> -> memref<2048xi32, #tpu.memory_space<hbm>>
    tpu.enqueue_dma source(%dma_start3A_9 : memref<2048xi32, #tpu.memory_space<hbm>>) target(%dma_start3A_8 : memref<2048xi32, #tpu.memory_space<vmem>>) target_semaphore(%arg12 : memref<!tpu.dma_semaphore, #tpu.memory_space<semaphore_mem>>)
    %dma_start3A_10 = arith.constant 0 : i32
    %dma_start3A_11 = tpu.memref_slice %arg8[%dma_start3A_10] : memref<4096xi32, #tpu.memory_space<vmem>> -> memref<2048xi32, #tpu.memory_space<vmem>>
    %dma_start3A_12 = tpu.memref_slice %arg3[%add3A_4] : memref<65536xi32, #tpu.memory_space<hbm>> -> memref<2048xi32, #tpu.memory_space<hbm>>
    %dma_start3A_13 = arith.constant 0 : i32
    %dma_start3A_14 = tpu.memref_slice %arg8[%dma_start3A_13] : memref<4096xi32, #tpu.memory_space<vmem>> -> memref<2048xi32, #tpu.memory_space<vmem>>
    %dma_start3A_15 = tpu.memref_slice %arg3[%add3A_4] : memref<65536xi32, #tpu.memory_space<hbm>> -> memref<2048xi32, #tpu.memory_space<hbm>>
    tpu.enqueue_dma source(%dma_start3A_15 : memref<2048xi32, #tpu.memory_space<hbm>>) target(%dma_start3A_14 : memref<2048xi32, #tpu.memory_space<vmem>>) target_semaphore(%arg12 : memref<!tpu.dma_semaphore, #tpu.memory_space<semaphore_mem>>)
    %dma_start3A_16 = arith.constant 0 : i32
    %dma_start3A_17 = tpu.memref_slice %arg9[%dma_start3A_16] : memref<4096xi32, #tpu.memory_space<vmem>> -> memref<2048xi32, #tpu.memory_space<vmem>>
    %dma_start3A_18 = tpu.memref_slice %arg4[%add3A_4] : memref<65536xi32, #tpu.memory_space<hbm>> -> memref<2048xi32, #tpu.memory_space<hbm>>
    %dma_start3A_19 = arith.constant 0 : i32
    %dma_start3A_20 = tpu.memref_slice %arg9[%dma_start3A_19] : memref<4096xi32, #tpu.memory_space<vmem>> -> memref<2048xi32, #tpu.memory_space<vmem>>
    %dma_start3A_21 = tpu.memref_slice %arg4[%add3A_4] : memref<65536xi32, #tpu.memory_space<hbm>> -> memref<2048xi32, #tpu.memory_space<hbm>>
    tpu.enqueue_dma source(%dma_start3A_21 : memref<2048xi32, #tpu.memory_space<hbm>>) target(%dma_start3A_20 : memref<2048xi32, #tpu.memory_space<vmem>>) target_semaphore(%arg12 : memref<!tpu.dma_semaphore, #tpu.memory_space<semaphore_mem>>)
    %dma_start3A_22 = arith.constant 0 : i32
    %dma_start3A_23 = tpu.memref_slice %arg10[%dma_start3A_22] : memref<4096xi32, #tpu.memory_space<vmem>> -> memref<2048xi32, #tpu.memory_space<vmem>>
    %dma_start3A_24 = tpu.memref_slice %arg5[%add3A_4] : memref<65536xi32, #tpu.memory_space<hbm>> -> memref<2048xi32, #tpu.memory_space<hbm>>
    %dma_start3A_25 = arith.constant 0 : i32
    %dma_start3A_26 = tpu.memref_slice %arg10[%dma_start3A_25] : memref<4096xi32, #tpu.memory_space<vmem>> -> memref<2048xi32, #tpu.memory_space<vmem>>
    %dma_start3A_27 = tpu.memref_slice %arg5[%add3A_4] : memref<65536xi32, #tpu.memory_space<hbm>> -> memref<2048xi32, #tpu.memory_space<hbm>>
    tpu.enqueue_dma source(%dma_start3A_27 : memref<2048xi32, #tpu.memory_space<hbm>>) target(%dma_start3A_26 : memref<2048xi32, #tpu.memory_space<vmem>>) target_semaphore(%arg12 : memref<!tpu.dma_semaphore, #tpu.memory_space<semaphore_mem>>)
    %add3A_28 = arith.constant 2048 : i32
    %add3A_29 = arith.addi %mul3A_2, %add3A_28 : i32
    %dma_start3A_30 = arith.constant 2048 : i32
    %dma_start3A_31 = tpu.memref_slice %arg7[%dma_start3A_30] : memref<4096xi32, #tpu.memory_space<vmem>> -> memref<2048xi32, #tpu.memory_space<vmem>>
    %dma_start3A_32 = tpu.memref_slice %arg2[%add3A_29] : memref<65536xi32, #tpu.memory_space<hbm>> -> memref<2048xi32, #tpu.memory_space<hbm>>
    %dma_start3A_33 = arith.constant 2048 : i32
    %dma_start3A_34 = tpu.memref_slice %arg7[%dma_start3A_33] : memref<4096xi32, #tpu.memory_space<vmem>> -> memref<2048xi32, #tpu.memory_space<vmem>>
    %dma_start3A_35 = tpu.memref_slice %arg2[%add3A_29] : memref<65536xi32, #tpu.memory_space<hbm>> -> memref<2048xi32, #tpu.memory_space<hbm>>
    tpu.enqueue_dma source(%dma_start3A_35 : memref<2048xi32, #tpu.memory_space<hbm>>) target(%dma_start3A_34 : memref<2048xi32, #tpu.memory_space<vmem>>) target_semaphore(%arg13 : memref<!tpu.dma_semaphore, #tpu.memory_space<semaphore_mem>>)
    %dma_start3A_36 = arith.constant 2048 : i32
    %dma_start3A_37 = tpu.memref_slice %arg8[%dma_start3A_36] : memref<4096xi32, #tpu.memory_space<vmem>> -> memref<2048xi32, #tpu.memory_space<vmem>>
    %dma_start3A_38 = tpu.memref_slice %arg3[%add3A_29] : memref<65536xi32, #tpu.memory_space<hbm>> -> memref<2048xi32, #tpu.memory_space<hbm>>
    %dma_start3A_39 = arith.constant 2048 : i32
    %dma_start3A_40 = tpu.memref_slice %arg8[%dma_start3A_39] : memref<4096xi32, #tpu.memory_space<vmem>> -> memref<2048xi32, #tpu.memory_space<vmem>>
    %dma_start3A_41 = tpu.memref_slice %arg3[%add3A_29] : memref<65536xi32, #tpu.memory_space<hbm>> -> memref<2048xi32, #tpu.memory_space<hbm>>
    tpu.enqueue_dma source(%dma_start3A_41 : memref<2048xi32, #tpu.memory_space<hbm>>) target(%dma_start3A_40 : memref<2048xi32, #tpu.memory_space<vmem>>) target_semaphore(%arg13 : memref<!tpu.dma_semaphore, #tpu.memory_space<semaphore_mem>>)
    %dma_start3A_42 = arith.constant 2048 : i32
    %dma_start3A_43 = tpu.memref_slice %arg9[%dma_start3A_42] : memref<4096xi32, #tpu.memory_space<vmem>> -> memref<2048xi32, #tpu.memory_space<vmem>>
    %dma_start3A_44 = tpu.memref_slice %arg4[%add3A_29] : memref<65536xi32, #tpu.memory_space<hbm>> -> memref<2048xi32, #tpu.memory_space<hbm>>
    %dma_start3A_45 = arith.constant 2048 : i32
    %dma_start3A_46 = tpu.memref_slice %arg9[%dma_start3A_45] : memref<4096xi32, #tpu.memory_space<vmem>> -> memref<2048xi32, #tpu.memory_space<vmem>>
    %dma_start3A_47 = tpu.memref_slice %arg4[%add3A_29] : memref<65536xi32, #tpu.memory_space<hbm>> -> memref<2048xi32, #tpu.memory_space<hbm>>
    tpu.enqueue_dma source(%dma_start3A_47 : memref<2048xi32, #tpu.memory_space<hbm>>) target(%dma_start3A_46 : memref<2048xi32, #tpu.memory_space<vmem>>) target_semaphore(%arg13 : memref<!tpu.dma_semaphore, #tpu.memory_space<semaphore_mem>>)
    %dma_start3A_48 = arith.constant 2048 : i32
    %dma_start3A_49 = tpu.memref_slice %arg10[%dma_start3A_48] : memref<4096xi32, #tpu.memory_space<vmem>> -> memref<2048xi32, #tpu.memory_space<vmem>>
    %dma_start3A_50 = tpu.memref_slice %arg5[%add3A_29] : memref<65536xi32, #tpu.memory_space<hbm>> -> memref<2048xi32, #tpu.memory_space<hbm>>
    %dma_start3A_51 = arith.constant 2048 : i32
    %dma_start3A_52 = tpu.memref_slice %arg10[%dma_start3A_51] : memref<4096xi32, #tpu.memory_space<vmem>> -> memref<2048xi32, #tpu.memory_space<vmem>>
    %dma_start3A_53 = tpu.memref_slice %arg5[%add3A_29] : memref<65536xi32, #tpu.memory_space<hbm>> -> memref<2048xi32, #tpu.memory_space<hbm>>
    tpu.enqueue_dma source(%dma_start3A_53 : memref<2048xi32, #tpu.memory_space<hbm>>) target(%dma_start3A_52 : memref<2048xi32, #tpu.memory_space<vmem>>) target_semaphore(%arg13 : memref<!tpu.dma_semaphore, #tpu.memory_space<semaphore_mem>>)
    %dma_wait3A = arith.constant 0 : i32
    %dma_wait3A_54 = tpu.memref_slice %arg7[%dma_wait3A] : memref<4096xi32, #tpu.memory_space<vmem>> -> memref<2048xi32, #tpu.memory_space<vmem>>
    %dma_wait3A_55 = tpu.memref_slice %arg2[%add3A_4] : memref<65536xi32, #tpu.memory_space<hbm>> -> memref<2048xi32, #tpu.memory_space<hbm>>
    %dma_wait3A_56 = arith.constant 0 : i32
    %dma_wait3A_57 = tpu.memref_slice %arg7[%dma_wait3A_56] : memref<4096xi32, #tpu.memory_space<vmem>> -> memref<2048xi32, #tpu.memory_space<vmem>>
    %dma_wait3A_58 = tpu.memref_slice %arg2[%add3A_4] : memref<65536xi32, #tpu.memory_space<hbm>> -> memref<2048xi32, #tpu.memory_space<hbm>>
    tpu.wait_dma2 semaphore(%arg12 : memref<!tpu.dma_semaphore, #tpu.memory_space<semaphore_mem>>) src(%dma_wait3A_58 : memref<2048xi32, #tpu.memory_space<hbm>>) dst(%dma_wait3A_57 : memref<2048xi32, #tpu.memory_space<vmem>>)
    %dma_wait3A_59 = arith.constant 0 : i32
    %dma_wait3A_60 = tpu.memref_slice %arg8[%dma_wait3A_59] : memref<4096xi32, #tpu.memory_space<vmem>> -> memref<2048xi32, #tpu.memory_space<vmem>>
    %dma_wait3A_61 = tpu.memref_slice %arg3[%add3A_4] : memref<65536xi32, #tpu.memory_space<hbm>> -> memref<2048xi32, #tpu.memory_space<hbm>>
    %dma_wait3A_62 = arith.constant 0 : i32
    %dma_wait3A_63 = tpu.memref_slice %arg8[%dma_wait3A_62] : memref<4096xi32, #tpu.memory_space<vmem>> -> memref<2048xi32, #tpu.memory_space<vmem>>
    %dma_wait3A_64 = tpu.memref_slice %arg3[%add3A_4] : memref<65536xi32, #tpu.memory_space<hbm>> -> memref<2048xi32, #tpu.memory_space<hbm>>
    tpu.wait_dma2 semaphore(%arg12 : memref<!tpu.dma_semaphore, #tpu.memory_space<semaphore_mem>>) src(%dma_wait3A_64 : memref<2048xi32, #tpu.memory_space<hbm>>) dst(%dma_wait3A_63 : memref<2048xi32, #tpu.memory_space<vmem>>)
    %dma_wait3A_65 = arith.constant 0 : i32
    %dma_wait3A_66 = tpu.memref_slice %arg9[%dma_wait3A_65] : memref<4096xi32, #tpu.memory_space<vmem>> -> memref<2048xi32, #tpu.memory_space<vmem>>
    %dma_wait3A_67 = tpu.memref_slice %arg4[%add3A_4] : memref<65536xi32, #tpu.memory_space<hbm>> -> memref<2048xi32, #tpu.memory_space<hbm>>
    %dma_wait3A_68 = arith.constant 0 : i32
    %dma_wait3A_69 = tpu.memref_slice %arg9[%dma_wait3A_68] : memref<4096xi32, #tpu.memory_space<vmem>> -> memref<2048xi32, #tpu.memory_space<vmem>>
    %dma_wait3A_70 = tpu.memref_slice %arg4[%add3A_4] : memref<65536xi32, #tpu.memory_space<hbm>> -> memref<2048xi32, #tpu.memory_space<hbm>>
    tpu.wait_dma2 semaphore(%arg12 : memref<!tpu.dma_semaphore, #tpu.memory_space<semaphore_mem>>) src(%dma_wait3A_70 : memref<2048xi32, #tpu.memory_space<hbm>>) dst(%dma_wait3A_69 : memref<2048xi32, #tpu.memory_space<vmem>>)
    %dma_wait3A_71 = arith.constant 0 : i32
    %dma_wait3A_72 = tpu.memref_slice %arg10[%dma_wait3A_71] : memref<4096xi32, #tpu.memory_space<vmem>> -> memref<2048xi32, #tpu.memory_space<vmem>>
    %dma_wait3A_73 = tpu.memref_slice %arg5[%add3A_4] : memref<65536xi32, #tpu.memory_space<hbm>> -> memref<2048xi32, #tpu.memory_space<hbm>>
    %dma_wait3A_74 = arith.constant 0 : i32
    %dma_wait3A_75 = tpu.memref_slice %arg10[%dma_wait3A_74] : memref<4096xi32, #tpu.memory_space<vmem>> -> memref<2048xi32, #tpu.memory_space<vmem>>
    %dma_wait3A_76 = tpu.memref_slice %arg5[%add3A_4] : memref<65536xi32, #tpu.memory_space<hbm>> -> memref<2048xi32, #tpu.memory_space<hbm>>
    tpu.wait_dma2 semaphore(%arg12 : memref<!tpu.dma_semaphore, #tpu.memory_space<semaphore_mem>>) src(%dma_wait3A_76 : memref<2048xi32, #tpu.memory_space<hbm>>) dst(%dma_wait3A_75 : memref<2048xi32, #tpu.memory_space<vmem>>)
    %parallel_loop3A = arith.constant 0 : i32
    %parallel_loop3A_77 = arith.constant 2048 : i32
    %parallel_loop3A_78 = arith.constant 16 : i32
    scf.for %parallel_loop3A_134 = %parallel_loop3A to %parallel_loop3A_77 step %parallel_loop3A_78  : i32 {
      %parallel_loop3A_135 = tpu.assume_multiple %parallel_loop3A_134, 16 : i32
      %parallel_loop3A_136 = arith.index_cast %parallel_loop3A_135 : i32 to index
      %parallel_loop3A_137 = tpu.vector_load %arg7[%parallel_loop3A_136] {strides = array<i32>} : memref<4096xi32, #tpu.memory_space<vmem>>, vector<16xi32>,
      %parallel_loop3A_138 = vector.shape_cast %parallel_loop3A_137 : vector<16xi32> to vector<16xi32>
      %parallel_loop3A_139 = arith.index_cast %parallel_loop3A_135 : i32 to index
      %parallel_loop3A_140 = tpu.vector_load %arg8[%parallel_loop3A_139] {strides = array<i32>} : memref<4096xi32, #tpu.memory_space<vmem>>, vector<16xi32>,
      %parallel_loop3A_141 = vector.shape_cast %parallel_loop3A_140 : vector<16xi32> to vector<16xi32>
      %parallel_loop3A_142 = arith.index_cast %parallel_loop3A_135 : i32 to index
      %parallel_loop3A_143 = tpu.vector_load %arg9[%parallel_loop3A_142] {strides = array<i32>} : memref<4096xi32, #tpu.memory_space<vmem>>, vector<16xi32>,
      %parallel_loop3A_144 = vector.shape_cast %parallel_loop3A_143 : vector<16xi32> to vector<16xi32>
      %parallel_loop3A_145 = arith.index_cast %parallel_loop3A_135 : i32 to index
      %parallel_loop3A_146 = tpu.vector_load %arg10[%parallel_loop3A_145] {strides = array<i32>} : memref<4096xi32, #tpu.memory_space<vmem>>, vector<16xi32>,
      %parallel_loop3A_147 = vector.shape_cast %parallel_loop3A_146 : vector<16xi32> to vector<16xi32>
      %parallel_loop3A_148 = arith.constant 0 : i32
      %parallel_loop3A_149 = vector.broadcast %parallel_loop3A_148 : i32 to vector<16xi32>
      %parallel_loop3A_150 = arith.cmpi eq, %parallel_loop3A_138, %parallel_loop3A_149 : vector<16xi32>
      %parallel_loop3A_151 = arith.addi %parallel_loop3A_144, %parallel_loop3A_147 : vector<16xi32>
      %parallel_loop3A_152 = arith.constant 4 : i32
      %parallel_loop3A_153 = vector.broadcast %parallel_loop3A_152 : i32 to vector<16xi32>
      %parallel_loop3A_154 = arith.cmpi eq, %parallel_loop3A_138, %parallel_loop3A_153 : vector<16xi32>
      %parallel_loop3A_155 = arith.constant 6 : i32
      %parallel_loop3A_156 = vector.broadcast %parallel_loop3A_155 : i32 to vector<16xi32>
      %parallel_loop3A_157 = arith.cmpi eq, %parallel_loop3A_138, %parallel_loop3A_156 : vector<16xi32>
      %parallel_loop3A_158 = arith.constant 1 : i32
      %parallel_loop3A_159 = arith.constant -1 : i32
      %parallel_loop3A_160 = vector.broadcast %parallel_loop3A_158 : i32 to vector<16xi32>
      %parallel_loop3A_161 = vector.broadcast %parallel_loop3A_159 : i32 to vector<16xi32>
      %parallel_loop3A_162 = arith.select %parallel_loop3A_157, %parallel_loop3A_160, %parallel_loop3A_161 : vector<16xi1>, vector<16xi32>
      %parallel_loop3A_163 = arith.select %parallel_loop3A_154, %parallel_loop3A_141, %parallel_loop3A_162 : vector<16xi1>, vector<16xi32>
      %parallel_loop3A_164 = arith.select %parallel_loop3A_150, %parallel_loop3A_151, %parallel_loop3A_163 : vector<16xi1>, vector<16xi32>
      %parallel_loop3A_165 = arith.addi %parallel_loop3A_141, %parallel_loop3A_164 : vector<16xi32>
      %parallel_loop3A_166 = arith.constant 255 : i32
      %parallel_loop3A_167 = vector.broadcast %parallel_loop3A_166 : i32 to vector<16xi32>
      %parallel_loop3A_168 = arith.andi %parallel_loop3A_165, %parallel_loop3A_167 : vector<16xi32>
      %parallel_loop3A_169 = arith.constant 1 : i32
      %parallel_loop3A_170 = vector.broadcast %parallel_loop3A_169 : i32 to vector<16xi32>
      %parallel_loop3A_171 = arith.cmpi eq, %parallel_loop3A_138, %parallel_loop3A_170 : vector<16xi32>
      %parallel_loop3A_172 = arith.andi %parallel_loop3A_141, %parallel_loop3A_144 : vector<16xi32>
      %parallel_loop3A_173 = arith.constant 2 : i32
      %parallel_loop3A_174 = vector.broadcast %parallel_loop3A_173 : i32 to vector<16xi32>
      %parallel_loop3A_175 = arith.cmpi eq, %parallel_loop3A_138, %parallel_loop3A_174 : vector<16xi32>
      %parallel_loop3A_176 = arith.ori %parallel_loop3A_141, %parallel_loop3A_144 : vector<16xi32>
      %parallel_loop3A_177 = arith.xori %parallel_loop3A_141, %parallel_loop3A_144 : vector<16xi32>
      %parallel_loop3A_178 = arith.select %parallel_loop3A_175, %parallel_loop3A_176, %parallel_loop3A_177 : vector<16xi1>, vector<16xi32>
      %parallel_loop3A_179 = arith.select %parallel_loop3A_171, %parallel_loop3A_172, %parallel_loop3A_178 : vector<16xi1>, vector<16xi32>
      %parallel_loop3A_180 = arith.constant 1 : i32
      %parallel_loop3A_181 = vector.broadcast %parallel_loop3A_180 : i32 to vector<16xi32>
      %parallel_loop3A_182 = arith.cmpi sge, %parallel_loop3A_138, %parallel_loop3A_181 : vector<16xi32>
      %parallel_loop3A_183 = arith.constant 3 : i32
      %parallel_loop3A_184 = vector.broadcast %parallel_loop3A_183 : i32 to vector<16xi32>
      %parallel_loop3A_185 = arith.cmpi sle, %parallel_loop3A_138, %parallel_loop3A_184 : vector<16xi32>
      %parallel_loop3A_186 = arith.andi %parallel_loop3A_182, %parallel_loop3A_185 : vector<16xi1>
      %parallel_loop3A_187 = arith.constant 5 : i32
      %parallel_loop3A_188 = vector.broadcast %parallel_loop3A_187 : i32 to vector<16xi32>
      %parallel_loop3A_189 = arith.cmpi eq, %parallel_loop3A_138, %parallel_loop3A_188 : vector<16xi32>
      %parallel_loop3A_190 = arith.constant 1 : i32
      %parallel_loop3A_191 = vector.broadcast %parallel_loop3A_190 : i32 to vector<16xi32>
      %parallel_loop3A_192 = arith.shrsi %parallel_loop3A_141, %parallel_loop3A_191 : vector<16xi32>
      %parallel_loop3A_193 = arith.select %parallel_loop3A_189, %parallel_loop3A_192, %parallel_loop3A_168 : vector<16xi1>, vector<16xi32>
      %parallel_loop3A_194 = arith.select %parallel_loop3A_186, %parallel_loop3A_179, %parallel_loop3A_193 : vector<16xi1>, vector<16xi32>
      %parallel_loop3A_195 = arith.index_cast %parallel_loop3A_135 : i32 to index
      %parallel_loop3A_196 = tpu.vector_load %arg11[%parallel_loop3A_195] {strides = array<i32>} : memref<4096xi32, #tpu.memory_space<vmem>>, vector<16xi32>,
      %parallel_loop3A_197 = vector.shape_cast %parallel_loop3A_196 : vector<16xi32> to vector<16xi32>
      %parallel_loop3A_198 = vector.shape_cast %parallel_loop3A_194 : vector<16xi32> to vector<16xi32>
      tpu.vector_store %arg11[%parallel_loop3A_195], %parallel_loop3A_198 {strides = array<i32>} : memref<4096xi32, #tpu.memory_space<vmem>>, vector<16xi32>,
    } {sc.loop_unroll_factor = 1 : i64, sc.parallel_access}
    %add3A_79 = arith.constant 0 : i32
    %add3A_80 = arith.addi %mul3A_2, %add3A_79 : i32
    %dma_start3A_81 = arith.constant 0 : i32
    %dma_start3A_82 = tpu.memref_slice %arg11[%dma_start3A_81] : memref<4096xi32, #tpu.memory_space<vmem>> -> memref<2048xi32, #tpu.memory_space<vmem>>
    %dma_start3A_83 = tpu.memref_slice %arg6[%add3A_80] : memref<65536xi32, #tpu.memory_space<hbm>> -> memref<2048xi32, #tpu.memory_space<hbm>>
    %dma_start3A_84 = tpu.memref_slice %arg6[%add3A_80] : memref<65536xi32, #tpu.memory_space<hbm>> -> memref<2048xi32, #tpu.memory_space<hbm>>
    %dma_start3A_85 = arith.constant 0 : i32
    %dma_start3A_86 = tpu.memref_slice %arg11[%dma_start3A_85] : memref<4096xi32, #tpu.memory_space<vmem>> -> memref<2048xi32, #tpu.memory_space<vmem>>
    tpu.enqueue_dma source(%dma_start3A_86 : memref<2048xi32, #tpu.memory_space<vmem>>) target(%dma_start3A_84 : memref<2048xi32, #tpu.memory_space<hbm>>) target_semaphore(%arg14 : memref<!tpu.dma_semaphore, #tpu.memory_space<semaphore_mem>>)
    %dma_wait3A_87 = arith.constant 2048 : i32
    %dma_wait3A_88 = tpu.memref_slice %arg7[%dma_wait3A_87] : memref<4096xi32, #tpu.memory_space<vmem>> -> memref<2048xi32, #tpu.memory_space<vmem>>
    %dma_wait3A_89 = tpu.memref_slice %arg2[%add3A_29] : memref<65536xi32, #tpu.memory_space<hbm>> -> memref<2048xi32, #tpu.memory_space<hbm>>
    %dma_wait3A_90 = arith.constant 2048 : i32
    %dma_wait3A_91 = tpu.memref_slice %arg7[%dma_wait3A_90] : memref<4096xi32, #tpu.memory_space<vmem>> -> memref<2048xi32, #tpu.memory_space<vmem>>
    %dma_wait3A_92 = tpu.memref_slice %arg2[%add3A_29] : memref<65536xi32, #tpu.memory_space<hbm>> -> memref<2048xi32, #tpu.memory_space<hbm>>
    tpu.wait_dma2 semaphore(%arg13 : memref<!tpu.dma_semaphore, #tpu.memory_space<semaphore_mem>>) src(%dma_wait3A_92 : memref<2048xi32, #tpu.memory_space<hbm>>) dst(%dma_wait3A_91 : memref<2048xi32, #tpu.memory_space<vmem>>)
    %dma_wait3A_93 = arith.constant 2048 : i32
    %dma_wait3A_94 = tpu.memref_slice %arg8[%dma_wait3A_93] : memref<4096xi32, #tpu.memory_space<vmem>> -> memref<2048xi32, #tpu.memory_space<vmem>>
    %dma_wait3A_95 = tpu.memref_slice %arg3[%add3A_29] : memref<65536xi32, #tpu.memory_space<hbm>> -> memref<2048xi32, #tpu.memory_space<hbm>>
    %dma_wait3A_96 = arith.constant 2048 : i32
    %dma_wait3A_97 = tpu.memref_slice %arg8[%dma_wait3A_96] : memref<4096xi32, #tpu.memory_space<vmem>> -> memref<2048xi32, #tpu.memory_space<vmem>>
    %dma_wait3A_98 = tpu.memref_slice %arg3[%add3A_29] : memref<65536xi32, #tpu.memory_space<hbm>> -> memref<2048xi32, #tpu.memory_space<hbm>>
    tpu.wait_dma2 semaphore(%arg13 : memref<!tpu.dma_semaphore, #tpu.memory_space<semaphore_mem>>) src(%dma_wait3A_98 : memref<2048xi32, #tpu.memory_space<hbm>>) dst(%dma_wait3A_97 : memref<2048xi32, #tpu.memory_space<vmem>>)
    %dma_wait3A_99 = arith.constant 2048 : i32
    %dma_wait3A_100 = tpu.memref_slice %arg9[%dma_wait3A_99] : memref<4096xi32, #tpu.memory_space<vmem>> -> memref<2048xi32, #tpu.memory_space<vmem>>
    %dma_wait3A_101 = tpu.memref_slice %arg4[%add3A_29] : memref<65536xi32, #tpu.memory_space<hbm>> -> memref<2048xi32, #tpu.memory_space<hbm>>
    %dma_wait3A_102 = arith.constant 2048 : i32
    %dma_wait3A_103 = tpu.memref_slice %arg9[%dma_wait3A_102] : memref<4096xi32, #tpu.memory_space<vmem>> -> memref<2048xi32, #tpu.memory_space<vmem>>
    %dma_wait3A_104 = tpu.memref_slice %arg4[%add3A_29] : memref<65536xi32, #tpu.memory_space<hbm>> -> memref<2048xi32, #tpu.memory_space<hbm>>
    tpu.wait_dma2 semaphore(%arg13 : memref<!tpu.dma_semaphore, #tpu.memory_space<semaphore_mem>>) src(%dma_wait3A_104 : memref<2048xi32, #tpu.memory_space<hbm>>) dst(%dma_wait3A_103 : memref<2048xi32, #tpu.memory_space<vmem>>)
    %dma_wait3A_105 = arith.constant 2048 : i32
    %dma_wait3A_106 = tpu.memref_slice %arg10[%dma_wait3A_105] : memref<4096xi32, #tpu.memory_space<vmem>> -> memref<2048xi32, #tpu.memory_space<vmem>>
    %dma_wait3A_107 = tpu.memref_slice %arg5[%add3A_29] : memref<65536xi32, #tpu.memory_space<hbm>> -> memref<2048xi32, #tpu.memory_space<hbm>>
    %dma_wait3A_108 = arith.constant 2048 : i32
    %dma_wait3A_109 = tpu.memref_slice %arg10[%dma_wait3A_108] : memref<4096xi32, #tpu.memory_space<vmem>> -> memref<2048xi32, #tpu.memory_space<vmem>>
    %dma_wait3A_110 = tpu.memref_slice %arg5[%add3A_29] : memref<65536xi32, #tpu.memory_space<hbm>> -> memref<2048xi32, #tpu.memory_space<hbm>>
    tpu.wait_dma2 semaphore(%arg13 : memref<!tpu.dma_semaphore, #tpu.memory_space<semaphore_mem>>) src(%dma_wait3A_110 : memref<2048xi32, #tpu.memory_space<hbm>>) dst(%dma_wait3A_109 : memref<2048xi32, #tpu.memory_space<vmem>>)
    %parallel_loop3A_111 = arith.constant 2048 : i32
    %parallel_loop3A_112 = arith.constant 4096 : i32
    %parallel_loop3A_113 = arith.constant 16 : i32
    scf.for %parallel_loop3A_134 = %parallel_loop3A_111 to %parallel_loop3A_112 step %parallel_loop3A_113  : i32 {
      %parallel_loop3A_135 = tpu.assume_multiple %parallel_loop3A_134, 16 : i32
      %parallel_loop3A_136 = arith.index_cast %parallel_loop3A_135 : i32 to index
      %parallel_loop3A_137 = tpu.vector_load %arg7[%parallel_loop3A_136] {strides = array<i32>} : memref<4096xi32, #tpu.memory_space<vmem>>, vector<16xi32>,
      %parallel_loop3A_138 = vector.shape_cast %parallel_loop3A_137 : vector<16xi32> to vector<16xi32>
      %parallel_loop3A_139 = arith.index_cast %parallel_loop3A_135 : i32 to index
      %parallel_loop3A_140 = tpu.vector_load %arg8[%parallel_loop3A_139] {strides = array<i32>} : memref<4096xi32, #tpu.memory_space<vmem>>, vector<16xi32>,
      %parallel_loop3A_141 = vector.shape_cast %parallel_loop3A_140 : vector<16xi32> to vector<16xi32>
      %parallel_loop3A_142 = arith.index_cast %parallel_loop3A_135 : i32 to index
      %parallel_loop3A_143 = tpu.vector_load %arg9[%parallel_loop3A_142] {strides = array<i32>} : memref<4096xi32, #tpu.memory_space<vmem>>, vector<16xi32>,
      %parallel_loop3A_144 = vector.shape_cast %parallel_loop3A_143 : vector<16xi32> to vector<16xi32>
      %parallel_loop3A_145 = arith.index_cast %parallel_loop3A_135 : i32 to index
      %parallel_loop3A_146 = tpu.vector_load %arg10[%parallel_loop3A_145] {strides = array<i32>} : memref<4096xi32, #tpu.memory_space<vmem>>, vector<16xi32>,
      %parallel_loop3A_147 = vector.shape_cast %parallel_loop3A_146 : vector<16xi32> to vector<16xi32>
      %parallel_loop3A_148 = arith.constant 0 : i32
      %parallel_loop3A_149 = vector.broadcast %parallel_loop3A_148 : i32 to vector<16xi32>
      %parallel_loop3A_150 = arith.cmpi eq, %parallel_loop3A_138, %parallel_loop3A_149 : vector<16xi32>
      %parallel_loop3A_151 = arith.addi %parallel_loop3A_144, %parallel_loop3A_147 : vector<16xi32>
      %parallel_loop3A_152 = arith.constant 4 : i32
      %parallel_loop3A_153 = vector.broadcast %parallel_loop3A_152 : i32 to vector<16xi32>
      %parallel_loop3A_154 = arith.cmpi eq, %parallel_loop3A_138, %parallel_loop3A_153 : vector<16xi32>
      %parallel_loop3A_155 = arith.constant 6 : i32
      %parallel_loop3A_156 = vector.broadcast %parallel_loop3A_155 : i32 to vector<16xi32>
      %parallel_loop3A_157 = arith.cmpi eq, %parallel_loop3A_138, %parallel_loop3A_156 : vector<16xi32>
      %parallel_loop3A_158 = arith.constant 1 : i32
      %parallel_loop3A_159 = arith.constant -1 : i32
      %parallel_loop3A_160 = vector.broadcast %parallel_loop3A_158 : i32 to vector<16xi32>
      %parallel_loop3A_161 = vector.broadcast %parallel_loop3A_159 : i32 to vector<16xi32>
      %parallel_loop3A_162 = arith.select %parallel_loop3A_157, %parallel_loop3A_160, %parallel_loop3A_161 : vector<16xi1>, vector<16xi32>
      %parallel_loop3A_163 = arith.select %parallel_loop3A_154, %parallel_loop3A_141, %parallel_loop3A_162 : vector<16xi1>, vector<16xi32>
      %parallel_loop3A_164 = arith.select %parallel_loop3A_150, %parallel_loop3A_151, %parallel_loop3A_163 : vector<16xi1>, vector<16xi32>
      %parallel_loop3A_165 = arith.addi %parallel_loop3A_141, %parallel_loop3A_164 : vector<16xi32>
      %parallel_loop3A_166 = arith.constant 255 : i32
      %parallel_loop3A_167 = vector.broadcast %parallel_loop3A_166 : i32 to vector<16xi32>
      %parallel_loop3A_168 = arith.andi %parallel_loop3A_165, %parallel_loop3A_167 : vector<16xi32>
      %parallel_loop3A_169 = arith.constant 1 : i32
      %parallel_loop3A_170 = vector.broadcast %parallel_loop3A_169 : i32 to vector<16xi32>
      %parallel_loop3A_171 = arith.cmpi eq, %parallel_loop3A_138, %parallel_loop3A_170 : vector<16xi32>
      %parallel_loop3A_172 = arith.andi %parallel_loop3A_141, %parallel_loop3A_144 : vector<16xi32>
      %parallel_loop3A_173 = arith.constant 2 : i32
      %parallel_loop3A_174 = vector.broadcast %parallel_loop3A_173 : i32 to vector<16xi32>
      %parallel_loop3A_175 = arith.cmpi eq, %parallel_loop3A_138, %parallel_loop3A_174 : vector<16xi32>
      %parallel_loop3A_176 = arith.ori %parallel_loop3A_141, %parallel_loop3A_144 : vector<16xi32>
      %parallel_loop3A_177 = arith.xori %parallel_loop3A_141, %parallel_loop3A_144 : vector<16xi32>
      %parallel_loop3A_178 = arith.select %parallel_loop3A_175, %parallel_loop3A_176, %parallel_loop3A_177 : vector<16xi1>, vector<16xi32>
      %parallel_loop3A_179 = arith.select %parallel_loop3A_171, %parallel_loop3A_172, %parallel_loop3A_178 : vector<16xi1>, vector<16xi32>
      %parallel_loop3A_180 = arith.constant 1 : i32
      %parallel_loop3A_181 = vector.broadcast %parallel_loop3A_180 : i32 to vector<16xi32>
      %parallel_loop3A_182 = arith.cmpi sge, %parallel_loop3A_138, %parallel_loop3A_181 : vector<16xi32>
      %parallel_loop3A_183 = arith.constant 3 : i32
      %parallel_loop3A_184 = vector.broadcast %parallel_loop3A_183 : i32 to vector<16xi32>
      %parallel_loop3A_185 = arith.cmpi sle, %parallel_loop3A_138, %parallel_loop3A_184 : vector<16xi32>
      %parallel_loop3A_186 = arith.andi %parallel_loop3A_182, %parallel_loop3A_185 : vector<16xi1>
      %parallel_loop3A_187 = arith.constant 5 : i32
      %parallel_loop3A_188 = vector.broadcast %parallel_loop3A_187 : i32 to vector<16xi32>
      %parallel_loop3A_189 = arith.cmpi eq, %parallel_loop3A_138, %parallel_loop3A_188 : vector<16xi32>
      %parallel_loop3A_190 = arith.constant 1 : i32
      %parallel_loop3A_191 = vector.broadcast %parallel_loop3A_190 : i32 to vector<16xi32>
      %parallel_loop3A_192 = arith.shrsi %parallel_loop3A_141, %parallel_loop3A_191 : vector<16xi32>
      %parallel_loop3A_193 = arith.select %parallel_loop3A_189, %parallel_loop3A_192, %parallel_loop3A_168 : vector<16xi1>, vector<16xi32>
      %parallel_loop3A_194 = arith.select %parallel_loop3A_186, %parallel_loop3A_179, %parallel_loop3A_193 : vector<16xi1>, vector<16xi32>
      %parallel_loop3A_195 = arith.index_cast %parallel_loop3A_135 : i32 to index
      %parallel_loop3A_196 = tpu.vector_load %arg11[%parallel_loop3A_195] {strides = array<i32>} : memref<4096xi32, #tpu.memory_space<vmem>>, vector<16xi32>,
      %parallel_loop3A_197 = vector.shape_cast %parallel_loop3A_196 : vector<16xi32> to vector<16xi32>
      %parallel_loop3A_198 = vector.shape_cast %parallel_loop3A_194 : vector<16xi32> to vector<16xi32>
      tpu.vector_store %arg11[%parallel_loop3A_195], %parallel_loop3A_198 {strides = array<i32>} : memref<4096xi32, #tpu.memory_space<vmem>>, vector<16xi32>,
    } {sc.loop_unroll_factor = 1 : i64, sc.parallel_access}
    %add3A_114 = arith.constant 2048 : i32
    %add3A_115 = arith.addi %mul3A_2, %add3A_114 : i32
    %dma_start3A_116 = arith.constant 2048 : i32
    %dma_start3A_117 = tpu.memref_slice %arg11[%dma_start3A_116] : memref<4096xi32, #tpu.memory_space<vmem>> -> memref<2048xi32, #tpu.memory_space<vmem>>
    %dma_start3A_118 = tpu.memref_slice %arg6[%add3A_115] : memref<65536xi32, #tpu.memory_space<hbm>> -> memref<2048xi32, #tpu.memory_space<hbm>>
    %dma_start3A_119 = tpu.memref_slice %arg6[%add3A_115] : memref<65536xi32, #tpu.memory_space<hbm>> -> memref<2048xi32, #tpu.memory_space<hbm>>
    %dma_start3A_120 = arith.constant 2048 : i32
    %dma_start3A_121 = tpu.memref_slice %arg11[%dma_start3A_120] : memref<4096xi32, #tpu.memory_space<vmem>> -> memref<2048xi32, #tpu.memory_space<vmem>>
    tpu.enqueue_dma source(%dma_start3A_121 : memref<2048xi32, #tpu.memory_space<vmem>>) target(%dma_start3A_119 : memref<2048xi32, #tpu.memory_space<hbm>>) target_semaphore(%arg14 : memref<!tpu.dma_semaphore, #tpu.memory_space<semaphore_mem>>)
    %dma_wait3A_122 = arith.constant 0 : i32
    %dma_wait3A_123 = tpu.memref_slice %arg11[%dma_wait3A_122] : memref<4096xi32, #tpu.memory_space<vmem>> -> memref<2048xi32, #tpu.memory_space<vmem>>
    %dma_wait3A_124 = tpu.memref_slice %arg6[%add3A_80] : memref<65536xi32, #tpu.memory_space<hbm>> -> memref<2048xi32, #tpu.memory_space<hbm>>
    %dma_wait3A_125 = tpu.memref_slice %arg6[%add3A_80] : memref<65536xi32, #tpu.memory_space<hbm>> -> memref<2048xi32, #tpu.memory_space<hbm>>
    %dma_wait3A_126 = arith.constant 0 : i32
    %dma_wait3A_127 = tpu.memref_slice %arg11[%dma_wait3A_126] : memref<4096xi32, #tpu.memory_space<vmem>> -> memref<2048xi32, #tpu.memory_space<vmem>>
    tpu.wait_dma2 semaphore(%arg14 : memref<!tpu.dma_semaphore, #tpu.memory_space<semaphore_mem>>) src(%dma_wait3A_127 : memref<2048xi32, #tpu.memory_space<vmem>>) dst(%dma_wait3A_125 : memref<2048xi32, #tpu.memory_space<hbm>>)
    %dma_wait3A_128 = arith.constant 2048 : i32
    %dma_wait3A_129 = tpu.memref_slice %arg11[%dma_wait3A_128] : memref<4096xi32, #tpu.memory_space<vmem>> -> memref<2048xi32, #tpu.memory_space<vmem>>
    %dma_wait3A_130 = tpu.memref_slice %arg6[%add3A_115] : memref<65536xi32, #tpu.memory_space<hbm>> -> memref<2048xi32, #tpu.memory_space<hbm>>
    %dma_wait3A_131 = tpu.memref_slice %arg6[%add3A_115] : memref<65536xi32, #tpu.memory_space<hbm>> -> memref<2048xi32, #tpu.memory_space<hbm>>
    %dma_wait3A_132 = arith.constant 2048 : i32
    %dma_wait3A_133 = tpu.memref_slice %arg11[%dma_wait3A_132] : memref<4096xi32, #tpu.memory_space<vmem>> -> memref<2048xi32, #tpu.memory_space<vmem>>
    tpu.wait_dma2 semaphore(%arg14 : memref<!tpu.dma_semaphore, #tpu.memory_space<semaphore_mem>>) src(%dma_wait3A_133 : memref<2048xi32, #tpu.memory_space<vmem>>) dst(%dma_wait3A_131 : memref<2048xi32, #tpu.memory_space<hbm>>)
    return
  }
}

</mosaic_0001>

<sc_bundles>
// kernel: kernel.3.cloned.1.call-start
scs
__scs_entry_jumppad:
0x0: {  	(pc) =	sbr.rel $0x88, $3  }
0x1: {  	(tag) =	ssettag $0x0;
	lr =	simm.s32 $0x1  }
0x2: {  	[smem:$0x3F9D] =	sst lr;
	_ =	strace $0xD0000000  }
0x3: {  	_ = 	snop  }
0x4: {  	_ = 	snop  }
0x5: {  	_ = 	snop  }
0x6: {  	_ = 	snop  }
0x7: {  	_ = 	snop  }
__scs_overlays_trampoline_lowered:
0x8: {  	[smem:$0x3FAC] =	sst s0  }
0x9: {  	[smem:$0x3FAD] =	sst s1  }
0xa: {  	[smem:$0x3FAE] =	sst s2  }
0xb: {  	[smem:$0x3FAF] =	sst s3  }
0xc: {  	[smem:$0x3FB0] =	sst s4  }
0xd: {  	[smem:$0x3FB1] =	sst s5  }
0xe: {  	[smem:$0x3FB2] =	sst s6  }
0xf: {  	[smem:$0x3FB3] =	sst s7  }
0x10: {  	[smem:$0x3FB4] =	sst s8  }
0x11: {  	[smem:$0x3FB5] =	sst s9;
	s0 =	simm.s32 @!p0 $0x0  }
0x12: {  	s1 =	sld [smem:$0x3F9B];
	s0 =	simm.s32 @p0 $0x1  }
0x13: {  	[smem:$0x3FB6] =	sst s0;
	s0 =	simm.s32 @!p1 $0x0  }
0x14: {  	s2 =	sld [smem:$0x3F9A];
	s0 =	simm.s32 @p1 $0x1  }
0x15: {  	[smem:$0x3FB7] =	sst s0;
	s0 =	simm.s32 @!p2 $0x0  }
0x16: {  	s3 =	sld [smem:$0x3FDB];
	s0 =	simm.s32 @p2 $0x1  }
0x17: {  	s4 =	simm.s32 $0x1BF5;
	[smem:$0x3FB9] =	sst s0  }
0x18: {  	s0 =	sld [smem:$0x3F9C];
	_ =	swait.ge [sflag:s4], $0x0  }
0x19: {  	s7 =	sld [smem:$0x3F9D]  }
0x1a: {  	s8 =	sadd.s32 $0xFFFFE003, lr  }
0x1b: {  	s9 =	sadd.s32 $0xFFFFFEF7, lr;
	s5 =	simm.s32 $0xFFFFFFFF;
	p2 =	slt.u32 s8, $0xFFFFF086  }
0x1c: {  	p1 =	slt.u32 s9, $0xF7A;
	s5 =	simm.s32 @!p2 $0x0  }
0x1d: {  	s5 =	simm.s32 @p1 $0x1;
	p0 =	seq.s32 s7, s2  }
0x1e: {  	s7 =	smul.u32 @!p0 $0xF7A, s2;
	p2 =	seq.s32 @!p0 s5, $0x0  }
0x1f: {  	s9 =	smul.u32 $0xF7A, s1;
	s8 =	simm.s32 @!p0 $0x1BF5;
	p2 =	por !p2, p0  }
0x20: {  	[sflag:s8] =	ssyncset.s32 @!p0 $0xFFFFF086;
	s6 =	sadd.s32 @!p0 s3, s7;
	s7 =	simm.s32 @!p0 $0x108  }
0x21: {  	s3 =	sadd.s32 s3, s9;
	s6 =	sadd.s32 @!p0 $0x88, s6;
	s7 =	simm.s32 @p2 $0x1082  }
0x22: {  	[simem:s7], [sflag:s8] =	dma.local @!p0 [hbm:s6], $0xF7A  }
0x23: {  	s9 =	sor.u32 $0xD0000000, s2;
	s6 =	simm.s32 $0x108;
	_ =	swait.ge @!p0 [sflag:s8], $0x0  }
0x24: {  	s3 =	sadd.s32 $0x88, s3;
	s6 =	simm.s32 @!p1 $0x1082;
	[sflag:s4] =	ssyncset.s32 $0xFFFFF086  }
0x25: {  	[simem:s6], [sflag:s4] =	dma.local [hbm:s3], $0xF7A  }
0x26: {  	[smem:$0x3F9D] =	sst s1;
	(tag) =	ssettag s2;
	_ =	strace s9  }
0x27: {  	s1 =	sld [smem:$0x3FAD]  }
0x28: {  	s2 =	sld [smem:$0x3FAE]  }
0x29: {  	s4 =	sld [smem:$0x3FB0]  }
0x2a: {  	p0 =	seq.s32 s5, $0x0;
	s5 =	sld [smem:$0x3FB1]  }
0x2b: {  	s6 =	sld [smem:$0x3FB2]  }
0x2c: {  	s7 =	sld [smem:$0x3FB3]  }
0x2d: {  	s3 =	simm.s32 $0x108;
	s8 =	sld [smem:$0x3FB4]  }
0x2e: {  	s3 =	simm.s32 @!p0 $0x1082;
	s9 =	sld [smem:$0x3FB5]  }
0x2f: {  	lr =	sadd.s32 s0, s3;
	s0 =	sld [smem:$0x3FAC]  }
0x30: {  	s3 =	sld [smem:$0x3FAF]  }
0x31: {  	[smem:$0x3FB8] =	sst s10  }
0x32: {  	s10 =	sld [smem:$0x3FB6];
	_ =	sdelay $0x3  }
0x33: {  	p0 =	seq.s32 s10, $0x1;
	s10 =	sld [smem:$0x3FB8];
	_ =	sdelay $0x3  }
0x34: {  	[smem:$0x3FB8] =	sst s10  }
0x35: {  	s10 =	sld [smem:$0x3FB7];
	_ =	sdelay $0x3  }
0x36: {  	p1 =	seq.s32 s10, $0x1;
	s10 =	sld [smem:$0x3FB8];
	_ =	sdelay $0x3  }
0x37: {  	[smem:$0x3FB8] =	sst s10  }
0x38: {  	s10 =	sld [smem:$0x3FB9]  }
0x39: {  	_ = 	snop;
	(pc) =	sbr.ind lr, $3  }
0x3a: {  	_ = 	snop  }
0x3b: {  	_ = 	snop  }
0x3c: {  	p2 =	seq.s32 s10, $0x1;
	s10 =	sld [smem:$0x3FB8]  }
0x3d: {  	_ =	shalt  }
0x3e: {  	_ =	shalt  }
0x3f: {  	_ =	shalt  }
0x40: {  	_ =	shalt  }
0x41: {  	_ =	shalt  }
0x42: {  	_ =	shalt  }
0x43: {  	_ =	shalt  }
0x44: {  	_ =	shalt  }
0x45: {  	_ =	shalt  }
0x46: {  	_ =	shalt  }
0x47: {  	_ =	shalt  }
0x48: {  	_ =	shalt  }
0x49: {  	_ =	shalt  }
0x4a: {  	_ =	shalt  }
0x4b: {  	_ =	shalt  }
0x4c: {  	_ =	shalt  }
0x4d: {  	_ =	shalt  }
0x4e: {  	_ =	shalt  }
0x4f: {  	_ =	shalt  }
0x50: {  	_ =	shalt  }
0x51: {  	_ =	shalt  }
0x52: {  	_ =	shalt  }
0x53: {  	_ =	shalt  }
0x54: {  	_ =	shalt  }
0x55: {  	_ =	shalt  }
0x56: {  	_ =	shalt  }
0x57: {  	_ =	shalt  }
0x58: {  	_ =	shalt  }
0x59: {  	_ =	shalt  }
0x5a: {  	_ =	shalt  }
0x5b: {  	_ =	shalt  }
0x5c: {  	_ =	shalt  }
0x5d: {  	_ =	shalt  }
0x5e: {  	_ =	shalt  }
0x5f: {  	_ =	shalt  }
0x60: {  	_ =	shalt  }
0x61: {  	_ =	shalt  }
0x62: {  	_ =	shalt  }
0x63: {  	_ =	shalt  }
0x64: {  	_ =	shalt  }
0x65: {  	_ =	shalt  }
0x66: {  	_ =	shalt  }
0x67: {  	_ =	shalt  }
0x68: {  	_ =	shalt  }
0x69: {  	_ =	shalt  }
0x6a: {  	_ =	shalt  }
0x6b: {  	_ =	shalt  }
0x6c: {  	_ =	shalt  }
0x6d: {  	_ =	shalt  }
0x6e: {  	_ =	shalt  }
0x6f: {  	_ =	shalt  }
0x70: {  	_ =	shalt  }
0x71: {  	_ =	shalt  }
0x72: {  	_ =	shalt  }
0x73: {  	_ =	shalt  }
0x74: {  	_ =	shalt  }
0x75: {  	_ =	shalt  }
0x76: {  	_ =	shalt  }
0x77: {  	_ =	shalt  }
0x78: {  	_ =	shalt  }
0x79: {  	_ =	shalt  }
0x7a: {  	_ =	shalt  }
0x7b: {  	_ =	shalt  }
0x7c: {  	_ =	shalt  }
0x7d: {  	_ =	shalt  }
0x7e: {  	_ =	shalt  }
0x7f: {  	_ =	shalt  }
0x80: {  	_ =	shalt  }
0x81: {  	_ =	shalt  }
0x82: {  	_ =	shalt  }
0x83: {  	_ =	shalt  }
0x84: {  	_ =	shalt  }
0x85: {  	_ =	shalt  }
0x86: {  	_ =	shalt  }
0x87: {  	_ =	shalt  }
.Lfunc_end0:
.L_simem_size_0:
called_computation_lowered:
.L_overlay_start_0:
0x88: {  	s0 =	sld [smem:$0x3FD9]  }
0x89: {  	s1 =	sld [smem:$0x3FFE];
	_ =	sdelay $0x3  }
0x8a: {  	s0 =	sadd.s32 s1, s0  }
0x8b: {  	[smem:$0x3FC4] =	sst s0  }
0x8c: {  	_ = 	snop  }
0x8d: {  	s0 =	sld [smem:$0x3FC9]  }
0x8e: {  	s17 =	sld [smem:$0x3FC8]  }
0x8f: {  	s2 =	sld [smem:$0x3FC7]  }
0x90: {  	s3 =	sld [smem:$0x3FC6]  }
0x91: {  	s4 =	sld [smem:$0x3FD0];
	(tm) =	ssettm $0x1  }
0x92: {  	s5 =	sld [smem:$0x3FFB];
	_ =	sdelay $0x3  }
0x93: {  	_ =	strace s5  }
0x94: {  	s5 =	sld [smem:$0x3FFC];
	_ =	sdelay $0x3  }
0x95: {  	_ =	strace s5  }
0x96: {  	s5 =	sld [smem:$0x3FFD];
	_ =	sdelay $0x3  }
0x97: {  	_ =	strace s5  }
0x98: {  	_ =	strace $0x8FFFFFFF  }
0x99: {  	s18 =	sld [smem:$0x3FDB];
	_ =	sdelay $0x1  }
0x9a: {  	s6 =	simm.s32 $_scs_section_size  }
0x9b: {  	s7 =	simm.s32 $_size__tile_overlayer_lowered;
	s8 =	simm.s32 $_tile_overlayer_lowered  }
0x9c: {  	s21 =	simm.s32 $0x1BFF;
	s20 =	sshll.u32 s8, $0x1;
	s5 =	sadd.s32 s6, s18  }
0x9d: {  	s9 =	simm.s32 $0x0;
	s19 =	sshll.u32 s7, $0x1;
	s7 =	sadd.s32 s20, s5  }
0x9e: {  	[timem:s9], [sflag:s21] =	dma.local [hbm:s7], s19  }
0x9f: {  	_ =	swait.ge [sflag:s21], s19  }
0xa0: {  	s6 =	ssub.s32 $0x0, s19;
	[sflag:s21] =	ssyncset.done $0x0  }
0xa1: {  	[sflag:s21] =	ssyncadd.s32 s6;
	_ =	sdelay $0x1  }
0xa2: {  	s22 =	simm.s32 $0x1B8B  }
0xa3: {  	_ =	swait.ge [sflag:s22], $0x1  }
0xa4: {  	[sflag:s22] =	ssyncset.done $0x0  }
0xa5: {  	s23 =	simm.s32 $0x1B8E;
	[sflag:s22] =	ssyncadd.s32 $0xFFFFFFFF  }
0xa6: {  	s24 =	simm.s32 $execute0_lowered;
	[smem:$0x3FD2] =	sst s23  }
0xa7: {  	s6 =	sshll.u32 s24, $0x1;
	_ =	strace $0x80000046;
	[dreg:$0x1] =	wrdreg $0xFFFFFFFF  }
0xa8: {  	s25 =	simm.s32 $_size_execute0_lowered;
	s5 =	sadd.s32 s5, s6;
	[dreg:$0x0] =	wrdreg $0x0  }
0xa9: {  	s6 =	sshll.u32 s25, $0x1;
	[dreg:$0x2] =	wrdreg s5  }
0xaa: {  	[dreg:$0x3] =	wrdreg s6  }
0xab: {  	[dreg:$0x4] =	wrdreg $0xC0  }
0xac: {  	_ =	task [dreg:s9], $0x5FFFF  }
0xad: {  	[dreg:$0x1] =	wrdreg $0xFFFFFFFF  }
0xae: {  	[dreg:$0x0] =	wrdreg $0x60  }
0xaf: {  	[dreg:$0x2] =	wrdreg s0  }
0xb0: {  	[dreg:$0x3] =	wrdreg s17  }
0xb1: {  	[dreg:$0x4] =	wrdreg s2  }
0xb2: {  	[dreg:$0x5] =	wrdreg s3  }
0xb3: {  	[dreg:$0x6] =	wrdreg s4  }
0xb4: {  	[dreg:$0x7] =	wrdreg $0x9  }
0xb5: {  	_ =	task.clear_ibuf [dreg:s9], $0x8FFFF;
	_ =	strace $0x90000046  }
0xb6: {  	s26 =	simm.s32 $0x9;
	_ =	strace $0x80000048  }
0xb7: {  	_ =	swait.ge [sflag:s26], $0x1  }
0xb8: {  	[sflag:s26] =	ssyncadd.s32 $0xFFFFFFFF  }
0xb9: {  	_ =	strace $0x90000048  }
0xba: {  	_ =	sfence  }
0xbb: {  	s28 =	sld [smem:$0x0];
	_ =	sdelay $0x1  }
0xbc: {  	s29 =	srdreg.scid  }
0xbd: {  	s30 =	sshll.u32 s29, $0xD;
	s31 =	sshrl.u32 s29, $0x2  }
0xbe: {  	s1 =	sand.u32 $0x1, s29;
	s2 =	sand.u32 $0x4000, s30;
	s0 =	sadd.s32 s31, s28  }
0xbf: {  	s1 =	sor.u32 s2, s1;
	s0 =	sshll.u32 s0, $0x11  }
0xc0: {  	s0 =	sor.u32 s0, s1  }
0xc1: {  	s0 =	sadd.s32 $0x8F2B, s0  }
0xc2: {  	[sflag:s0] =	ssyncadd.remote.s32 $0x1  }
0xc3: {  	_ =	sfence.sel $0xFFFF  }
0xc4: {  	[dreg:$0x0] =	wrdreg $0xFFFFFFFF;
	(pc) =	sbr.abs _section_cstart, $3  }
0xc5: {  	[dreg:$0x1] =	wrdreg $0xFFFFFFFF  }
0xc6: {  	_ =	task.clear_ibuf [dreg:s9], $0x2FFFF;
	_ =	strace $0x9FFFFFFF  }
0xc7: {  	(tm) =	ssettm $0x7FFFFFFF  }
tec
execute0_lowered:
.L_overlay_start_1:
0x0: {  	(tag) =	ssettag $0x1  }
0x1: {  	s5 =	rddreg [dreg:$0x0]  }
0x2: {  	s6 =	rddreg [dreg:$0x1]  }
0x3: {  	s7 =	rddreg [dreg:$0x2]  }
0x4: {  	s8 =	rddreg [dreg:$0x3]  }
0x5: {  	s2 =	rddreg [dreg:$0x4];
	s9 =	simm.s32 $0x0;
	s1 =	stileid.u32  }
0x6: {  	[smem:$0x7FF] =	sst s9;
	s4 =	sshll.u32 s1, $0x9  }
0x7: {  	s0 =	rddreg [dreg:$0x5];
	_ =	strace $0x80000047;
	s3 =	sadd.s32 s5, s4  }
0x8: {  	[tilespmem:s9], [sflag:$0x1] =	stream.linear.gather [hbm4b:s3+s9], $0x800, $0x38;
	[tilespmem:$0x5000] =	vst v63  }
0x9: {  	s10 =	simm.s32 $0x1000;
	s20 =	sadd.s32 s6, s4  }
0xa: {  	[tilespmem:s10], [sflag:$0x1] =	stream.linear.gather [hbm4b:s20+s9], $0x800, $0x38;
	[tilespmem:$0x5000] =	vst v63  }
0xb: {  	s11 =	simm.s32 $0x2000;
	s21 =	sadd.s32 s7, s4  }
0xc: {  	[tilespmem:s11], [sflag:$0x1] =	stream.linear.gather [hbm4b:s21+s9], $0x800, $0x38;
	[tilespmem:$0x5000] =	vst v63  }
0xd: {  	s13 =	simm.s32 $0x3000;
	s12 =	sadd.s32 s8, s4;
	s3 =	sor.u32 $0x100, s4  }
0xe: {  	[tilespmem:s13], [sflag:$0x1] =	stream.linear.gather [hbm4b:s12+s9], $0x800, $0x38;
	[tilespmem:$0x5000] =	vst v63  }
0xf: {  	s22 =	simm.s32 $0x800;
	s5 =	sadd.s32 s5, s3  }
0x10: {  	[tilespmem:s22], [sflag:$0x2] =	stream.linear.gather [hbm4b:s5+s9], $0x800, $0x38;
	[tilespmem:$0x5000] =	vst v63  }
0x11: {  	s24 =	simm.s32 $0x1800;
	s23 =	sadd.s32 s6, s3  }
0x12: {  	[tilespmem:s24], [sflag:$0x2] =	stream.linear.gather [hbm4b:s23+s9], $0x800, $0x38;
	[tilespmem:$0x5000] =	vst v63  }
0x13: {  	s26 =	simm.s32 $0x2800;
	s25 =	sadd.s32 s7, s3  }
0x14: {  	[tilespmem:s26], [sflag:$0x2] =	stream.linear.gather [hbm4b:s25+s9], $0x800, $0x38;
	[tilespmem:$0x5000] =	vst v63  }
0x15: {  	s29 =	simm.s32 $0x3800;
	s30 =	simm.s32 $0x1;
	s28 =	sadd.s32 s8, s3  }
0x16: {  	[tilespmem:s29], [sflag:$0x2] =	stream.linear.gather [hbm4b:s28+s9], $0x800, $0x38;
	[tilespmem:$0x5000] =	vst v63  }
0x17: {  	_ =	swait.ge [sflag:s30], $0x800  }
0x18: {  	[sflag:s30] =	ssyncset.done $0x0  }
0x19: {  	[sflag:s30] =	ssyncadd.s32 $0xFFFFF800  }
0x1a: {  	_ =	swait.ge [sflag:s30], $0x800  }
0x1b: {  	[sflag:s30] =	ssyncset.done $0x0  }
0x1c: {  	[sflag:s30] =	ssyncadd.s32 $0xFFFFF800  }
0x1d: {  	_ =	swait.ge [sflag:s30], $0x800  }
0x1e: {  	[sflag:s30] =	ssyncset.done $0x0  }
0x1f: {  	[sflag:s30] =	ssyncadd.s32 $0xFFFFF800  }
0x20: {  	_ =	swait.ge [sflag:s30], $0x800  }
0x21: {  	[sflag:s30] =	ssyncset.done $0x0  }
0x22: {  	[sflag:s30] =	ssyncadd.s32 $0xFFFFF800  }
0x23: {  	v4 =	vld [tilespmem:s10+$0x0]  }
0x24: {  	v5 =	vld [tilespmem:s11+$0x0]  }
0x25: {  	v6 =	vld [tilespmem:s9+$0x0];
	_ =	sdelay $0x1  }
0x26: {  	v2 =	vld [tilespmem:s13+$0x0];
	_ =	sdelay $0x1  }
0x27: {  	v1 =	vimm.s32 $0xFF  }
0x28: {  	vm0 =	veq.s32 v6, $0x6;
	vm1 =	veq.s32 v6, $0x1;
	v7 =	vand.u32 v4, v5  }
0x29: {  	vm2 =	veq.s32 v6, $0x4;
	v9 =	vadd.s32 $0xFFFFFFFF, v6;
	v8 =	vsel vm0, $0x1, v1  }
0x2a: {  	s31 =	simm.s32 $0x1010;
	v10 =	vadd.s32 v5, v2;
	vm0 =	veq.s32 v6, $0x0;
	v8 =	vsel vm2, v4, v8  }
0x2b: {  	s6 =	simm.s32 $0x2010;
	v0 =	vld [tilespmem:s31+$0x0];
	v63 =	vor.u32 v4, v5;
	v5 =	vxor.u32 v4, v5;
	v8 =	vsel vm0, v10, v8  }
0x2c: {  	s7 =	simm.s32 $0x10;
	v3 =	vld [tilespmem:s6+$0x0];
	vm2 =	veq.s32 v6, $0x5;
	vm0 =	veq.s32 v6, $0x2;
	v6 =	vadd.s32 v4, v8  }
0x2d: {  	v2 =	vld [tilespmem:s7+$0x0];
	v5 =	vsel vm0, v63, v5;
	v4 =	vshra.s32 v4, $0x1;
	v6 =	vand.u32 $0xFF, v6  }
0x2e: {  	s8 =	simm.s32 $0x3010;
	vm0 =	vlt.u32 v9, $0x3;
	v5 =	vsel vm1, v7, v5;
	v4 =	vsel vm2, v4, v6  }
0x2f: {  	v6 =	vsel vm0, v5, v4;
	v5 =	vld [tilespmem:s8+$0x0];
	_ =	sdelay $0x1  }
0x30: {  	s5 =	simm.s32 $0x4000  }
0x31: {  	s9 =	simm.s32 $0x10;
	s10 =	simm.s32 $0x1020;
	vm1 =	veq.s32 v2, $0x6;
	vm0 =	veq.s32 v2, $0x1;
	v4 =	vand.u32 v0, v3;
	[tilespmem:s5+$0x0] =	vst v6  }
.LBB2_1:
0x32: {  	v6 =	vld [tilespmem:s10+$0x0];
	vm2 =	veq.s32 v2, $0x4;
	v7 =	vsel vm1, $0x1, v1;
	v8 =	vadd.s32 $0xFFFFFFFF, v2;
	s6 =	sadd.s32 $0x10, s6  }
0x33: {  	vm1 =	veq.s32 v2, $0x0;
	s7 =	sadd.s32 $0x10, s7;
	s9 =	sadd.s32 $0x10, s9;
	v9 =	vld [tilespmem:s6+$0x0];
	v5 =	vadd.s32 v3, v5;
	v7 =	vsel vm2, v0, v7  }
0x34: {  	vm2 =	veq.s32 v2, $0x5;
	p0 =	slt.u32 s9, $0x7F0;
	v5 =	vsel vm1, v5, v7;
	vm1 =	veq.s32 v2, $0x2;
	v2 =	vld [tilespmem:s7+$0x0]  }
.Ltmp0:
0x35: {  	v10 =	vor.u32 v0, v3;
	s8 =	sadd.s32 $0x10, s8;
	v3 =	vxor.u32 v0, v3;
	v7 =	vadd.s32 v0, v5;
	(pc) =	sbr.rel @p0 .LBB2_1-.Ltmp0, $4  }
0x36: {  	v12 =	vsel vm1, v10, v3;
	v10 =	vshra.s32 v0, $0x1;
	v5 =	vld [tilespmem:s8+$0x0];
	v7 =	vand.u32 $0xFF, v7  }
0x37: {  	v11 =	vsel vm0, v4, v12;
	vm0 =	vlt.u32 v8, $0x3;
	v4 =	vsel vm2, v10, v7;
	v0 =	vmovc v6  }
0x38: {  	s5 =	sadd.s32 $0x10, s5;
	v6 =	vsel vm0, v11, v4;
	v3 =	vmov v9  }
0x39: {  	s10 =	sadd.s32 $0x10, s10;
	vm1 =	veq.s32 v2, $0x6;
	vm0 =	veq.s32 v2, $0x1;
	v4 =	vand.u32 v0, v3;
	[tilespmem:s5+$0x0] =	vst v6  }
0x3a: {  	vm2 =	veq.s32 v2, $0x4;
	v1 =	vsel vm1, $0x1, v1;
	v6 =	vadd.s32 $0xFFFFFFFF, v2  }
0x3b: {  	vm1 =	veq.s32 v2, $0x0;
	v5 =	vadd.s32 v3, v5;
	v1 =	vsel vm2, v0, v1  }
0x3c: {  	vm2 =	veq.s32 v2, $0x5;
	v1 =	vsel vm1, v5, v1;
	vm1 =	veq.s32 v2, $0x2  }
0x3d: {  	v2 =	vor.u32 v0, v3;
	v3 =	vxor.u32 v0, v3;
	v1 =	vadd.s32 v0, v1  }
0x3e: {  	v2 =	vsel vm1, v2, v3;
	v0 =	vshra.s32 v0, $0x1;
	v1 =	vand.u32 $0xFF, v1  }
0x3f: {  	v2 =	vsel vm0, v4, v2;
	vm0 =	vlt.u32 v6, $0x3;
	v0 =	vsel vm2, v0, v1  }
0x40: {  	s5 =	sadd.s32 $0x10, s5;
	s4 =	sadd.s32 s2, s4;
	v0 =	vsel vm0, v2, v0  }
0x41: {  	s24 =	simm.s32 $0x0;
	s6 =	simm.s32 $0x4000;
	s25 =	simm.s32 $0x2;
	[tilespmem:s5+$0x0] =	vst v0  }
0x42: {  	[hbm4b:s4+s24] =	stream.linear.scatter [tilespmem:s6], [sflag:$0x3], $0x800, $0x38;
	[tilespmem:$0x5000] =	vst v63  }
0x43: {  	_ =	swait.ge [sflag:s25], $0x800  }
0x44: {  	[sflag:s25] =	ssyncset.done $0x0  }
0x45: {  	[sflag:s25] =	ssyncadd.s32 $0xFFFFF800  }
0x46: {  	_ =	swait.ge [sflag:s25], $0x800  }
0x47: {  	[sflag:s25] =	ssyncset.done $0x0  }
0x48: {  	[sflag:s25] =	ssyncadd.s32 $0xFFFFF800  }
0x49: {  	_ =	swait.ge [sflag:s25], $0x800  }
0x4a: {  	[sflag:s25] =	ssyncset.done $0x0  }
0x4b: {  	[sflag:s25] =	ssyncadd.s32 $0xFFFFF800  }
0x4c: {  	_ =	swait.ge [sflag:s25], $0x800  }
0x4d: {  	[sflag:s25] =	ssyncset.done $0x0  }
0x4e: {  	s26 =	simm.s32 $0x1800;
	[sflag:s25] =	ssyncadd.s32 $0xFFFFF800  }
0x4f: {  	s28 =	simm.s32 $0x2800;
	v4 =	vld [tilespmem:s26+$0x0]  }
0x50: {  	s29 =	simm.s32 $0x800;
	v5 =	vld [tilespmem:s28+$0x0]  }
0x51: {  	v6 =	vld [tilespmem:s29+$0x0]  }
0x52: {  	s30 =	simm.s32 $0x3800  }
0x53: {  	v2 =	vld [tilespmem:s30+$0x0];
	_ =	sdelay $0x1  }
0x54: {  	v1 =	vimm.s32 $0xFF  }
0x55: {  	vm0 =	veq.s32 v6, $0x6;
	vm1 =	veq.s32 v6, $0x1;
	v7 =	vand.u32 v4, v5  }
0x56: {  	vm2 =	veq.s32 v6, $0x4;
	v9 =	vadd.s32 $0xFFFFFFFF, v6;
	v8 =	vsel vm0, $0x1, v1  }
0x57: {  	s31 =	simm.s32 $0x1810;
	v10 =	vadd.s32 v5, v2;
	vm0 =	veq.s32 v6, $0x0;
	v8 =	vsel vm2, v4, v8  }
0x58: {  	s5 =	simm.s32 $0x2810;
	v0 =	vld [tilespmem:s31+$0x0];
	v63 =	vor.u32 v4, v5;
	v5 =	vxor.u32 v4, v5;
	v8 =	vsel vm0, v10, v8  }
0x59: {  	s6 =	simm.s32 $0x810;
	v3 =	vld [tilespmem:s5+$0x0];
	vm2 =	veq.s32 v6, $0x5;
	vm0 =	veq.s32 v6, $0x2;
	v6 =	vadd.s32 v4, v8  }
0x5a: {  	v2 =	vld [tilespmem:s6+$0x0];
	v5 =	vsel vm0, v63, v5;
	v4 =	vshra.s32 v4, $0x1;
	v6 =	vand.u32 $0xFF, v6  }
0x5b: {  	s7 =	simm.s32 $0x3810;
	vm0 =	vlt.u32 v9, $0x3;
	v5 =	vsel vm1, v7, v5;
	v4 =	vsel vm2, v4, v6  }
0x5c: {  	v6 =	vsel vm0, v5, v4;
	v5 =	vld [tilespmem:s7+$0x0];
	_ =	sdelay $0x1  }
0x5d: {  	s4 =	simm.s32 $0x4800  }
0x5e: {  	s8 =	simm.s32 $0x810;
	s9 =	simm.s32 $0x1820;
	vm1 =	veq.s32 v2, $0x6;
	vm0 =	veq.s32 v2, $0x1;
	v4 =	vand.u32 v0, v3;
	[tilespmem:s4+$0x0] =	vst v6  }
.LBB2_3:
0x5f: {  	v6 =	vld [tilespmem:s9+$0x0];
	vm2 =	veq.s32 v2, $0x4;
	v7 =	vsel vm1, $0x1, v1;
	v8 =	vadd.s32 $0xFFFFFFFF, v2;
	s5 =	sadd.s32 $0x10, s5  }
0x60: {  	vm1 =	veq.s32 v2, $0x0;
	s6 =	sadd.s32 $0x10, s6;
	s8 =	sadd.s32 $0x10, s8;
	v9 =	vld [tilespmem:s5+$0x0];
	v5 =	vadd.s32 v3, v5;
	v7 =	vsel vm2, v0, v7  }
0x61: {  	vm2 =	veq.s32 v2, $0x5;
	p0 =	slt.u32 s8, $0xFF0;
	v5 =	vsel vm1, v5, v7;
	vm1 =	veq.s32 v2, $0x2;
	v2 =	vld [tilespmem:s6+$0x0]  }
.Ltmp1:
0x62: {  	v10 =	vor.u32 v0, v3;
	s7 =	sadd.s32 $0x10, s7;
	v3 =	vxor.u32 v0, v3;
	v7 =	vadd.s32 v0, v5;
	(pc) =	sbr.rel @p0 .LBB2_3-.Ltmp1, $4  }
0x63: {  	v12 =	vsel vm1, v10, v3;
	v10 =	vshra.s32 v0, $0x1;
	v5 =	vld [tilespmem:s7+$0x0];
	v7 =	vand.u32 $0xFF, v7  }
0x64: {  	v11 =	vsel vm0, v4, v12;
	vm0 =	vlt.u32 v8, $0x3;
	v4 =	vsel vm2, v10, v7;
	v0 =	vmovc v6  }
0x65: {  	s4 =	sadd.s32 $0x10, s4;
	v6 =	vsel vm0, v11, v4;
	v3 =	vmov v9  }
0x66: {  	s9 =	sadd.s32 $0x10, s9;
	vm1 =	veq.s32 v2, $0x6;
	vm0 =	veq.s32 v2, $0x1;
	v4 =	vand.u32 v0, v3;
	[tilespmem:s4+$0x0] =	vst v6  }
0x67: {  	vm2 =	veq.s32 v2, $0x4;
	v1 =	vsel vm1, $0x1, v1;
	v6 =	vadd.s32 $0xFFFFFFFF, v2  }
0x68: {  	vm12 =	veq.s32 v2, $0x0;
	v5 =	vadd.s32 v3, v5;
	v1 =	vsel vm2, v0, v1  }
0x69: {  	vm13 =	veq.s32 v2, $0x2;
	vm14 =	veq.s32 v2, $0x5;
	v1 =	vsel vm12, v5, v1  }
0x6a: {  	v61 =	vor.u32 v0, v3;
	v62 =	vxor.u32 v0, v3;
	v1 =	vadd.s32 v0, v1  }
0x6b: {  	v63 =	vshra.s32 v0, $0x1;
	v2 =	vsel vm13, v61, v62;
	v1 =	vand.u32 $0xFF, v1  }
0x6c: {  	vm15 =	vlt.u32 v6, $0x3;
	v2 =	vsel vm0, v4, v2;
	v0 =	vsel vm14, v63, v1  }
0x6d: {  	s4 =	sadd.s32 $0x10, s4;
	s2 =	sadd.s32 s2, s3;
	v0 =	vsel vm15, v2, v0  }
0x6e: {  	s29 =	simm.s32 $0x0;
	s30 =	simm.s32 $0x4800;
	s31 =	simm.s32 $0x3;
	[tilespmem:s4+$0x0] =	vst v0  }
0x6f: {  	[hbm4b:s2+s29] =	stream.linear.scatter [tilespmem:s30], [sflag:$0x3], $0x800, $0x38;
	[tilespmem:$0x5000] =	vst v63  }
0x70: {  	_ =	swait.ge [sflag:s31], $0x800  }
0x71: {  	[sflag:s31] =	ssyncset.done $0x0  }
0x72: {  	[sflag:s31] =	ssyncadd.s32 $0xFFFFF800  }
0x73: {  	_ =	swait.ge [sflag:s31], $0x800  }
0x74: {  	[sflag:s31] =	ssyncset.done $0x0  }
0x75: {  	[sflag:s31] =	ssyncadd.s32 $0xFFFFF800  }
0x76: {  	_ =	sfence.sel $0x180000  }
0x77: {  	[bflag:$0x0] =	sbarrier.arrive $0xFFFF  }
0x78: {  	p0 =	sne.s32 s1, $0x0;
	_ =	strace $0x90000047  }
0x79: {  	s0 =	sadd.s32 @!p0 $0x100000, s0;
	[bflag:$0x2] =	sbarrier.arrive $0xFFFF  }
0x7a: {  	[sflag:s0] =	ssyncadd.tile.s32 @!p0 $0x1;
	_ =	shalt  }
.Lfunc_end2:
_tile_overlayer_lowered:
.L_overlay_start_2:
0x7b: {  	(tag) =	ssettag $0x2  }
0x7c: {  	s0 =	rddreg [dreg:$0x0];
	s2 =	stileid.u32  }
0x7d: {  	s1 =	rddreg [dreg:$0x1];
	p0 =	sne.s32 s2, $0x0  }
0x7e: {  	s3 =	rddreg [dreg:$0x2];
	[bflag:$0x3] =	sbarrier.arrive $0xFFFF;
	s2 =	simm.s32 @!p0 $0x1C04  }
0x7f: {  	[timem:s3], [sflag:s2] =	dma.local @!p0 [hbm:s0], s1  }
0x80: {  	s0 =	simm.s32 @!p0 $0x4  }
0x81: {  	_ =	swait.ge @!p0 [sflag:s0], s1  }
0x82: {  	s1 =	ssub.s32 @!p0 $0x0, s1;
	[sflag:s0] =	ssyncset.done @!p0 $0x0  }
0x83: {  	[sflag:s0] =	ssyncadd.s32 @!p0 s1  }
0x84: {  	[bflag:$0x3] =	sbarrier.arrive $0xFFFF  }
0x85: {  	_ =	shalt  }

</sc_bundles>
